<compile_context>
chip_gen: v7x
topology: tpu7x:2x2x1
jax: 0.10.2.dev20260603
libtpu: 0.0.44.dev20260713+nightly
codegen_flags: <defaults>
</compile_context>

<pallas_src>
import numpy as np
import jax
import jax.numpy as jnp
from jax import lax
from jax.experimental import pallas as pl
from jax.experimental.pallas import tpu as pltpu
from jax.experimental.pallas import tpu_sc as plsc

_IDX_PAD = 216


def _build_index_map():

    def g(src, dim, idx):
        dim = dim % src.ndim
        sl = tuple(
            slice(None) if a == dim else slice(0, idx.shape[a])
            for a in range(src.ndim)
        )
        return np.take_along_axis(src[sl], idx, axis=dim)

    bx = np.arange(12)
    by = np.arange(28).reshape(4, 7)
    bz = np.arange(24).reshape(2, 3, 4)
    bd = np.arange(625).reshape(5, 5, 5, 5)

    ix = np.array([7, 9, 11])
    iy0 = np.array([[1, 3, 2], [0, 3, 1]])
    iy1 = np.array([[1, 3, 2, 4, 6, 5], [4, 3, 2, 1, 5, 6]])
    iz0 = np.array([[[0], [1], [0]], [[1], [0], [1]]])
    iz1 = np.array([[[0], [1], [2]], [[1], [2], [0]]])
    iz2 = np.array([[[0, 1, 2, 3]], [[2, 1, 0, 3]]])
    zz = np.array([[[[0, 1, 0, 1, 0], [1, 0, 1, 0, 1],
                     [0, 1, 0, 1, 0], [1, 0, 1, 0, 1]]],
                   [[[1, 0, 3, 4, 1], [0, 1, 0, 1, 0],
                     [1, 0, 1, 0, 1], [0, 1, 0, 1, 0]]]])

    parts = [
        (0, g(bx, 0, ix)),
        (1, g(by, 0, iy0)),
        (1, g(by, 1, iy1)),
        (2, g(bz, -3, iz0)),
        (2, g(bz, -2, iz1)),
        (2, g(bz, -1, iz2)),
        (3, g(bd, 0, zz)),
        (3, g(bd, 1, zz)),
        (3, g(bd, 2, zz)),
        (3, g(bd, 3, zz)),
    ]
    table = np.zeros(_IDX_PAD, dtype=np.int32)
    specs = []
    off = 0
    for src_slot, p in parts:
        table[off:off + p.size] = p.ravel()
        specs.append((src_slot, off, p.shape))
        off += -(-p.size // 8) * 8
    assert off <= _IDX_PAD
    return table, specs


_IDX_NP, _OUT_SPECS = _build_index_map()

_GATHER_RUNS = ((0, 0, 8), (1, 8, 24), (2, 32, 24), (3, 56, 160))


_SRC_OFFSETS = (0, 12, 40, 64)
_IDX_GLOBAL_NP = _IDX_NP.copy()
for _slot, _off, _ln in _GATHER_RUNS:
    _IDX_GLOBAL_NP[_off:_off + _ln] += _SRC_OFFSETS[_slot]


def _gather_body(flat_hbm, idx_hbm, out_hbm, idx_v, out_v, sem):
    wid = lax.axis_index("s")

    @pl.when(wid == 0)
    def _():
        pltpu.sync_copy(idx_hbm, idx_v)
        pltpu.async_copy(flat_hbm.at[idx_v], out_v, sem).wait()
        pltpu.sync_copy(out_v, out_hbm)


def kernel(x, y, z, d):
    mesh = plsc.VectorSubcoreMesh(
        core_axis_name="c", subcore_axis_name="s", num_cores=1
    )
    out_flat = pl.kernel(
        _gather_body,
        mesh=mesh,
        out_type=jax.ShapeDtypeStruct((_IDX_PAD,), jnp.float32),
        scratch_types=[
            pltpu.VMEM((_IDX_PAD,), jnp.int32),
            pltpu.VMEM((_IDX_PAD,), jnp.float32),
            pltpu.SemaphoreType.DMA,
        ],
    )(
        jnp.concatenate([x.ravel(), y.ravel(), z.ravel(), d.ravel()]),
        jnp.asarray(_IDX_GLOBAL_NP),
    )

    return tuple(
        out_flat[off:off + int(np.prod(shape))].reshape(shape)
        for _, off, shape in _OUT_SPECS
    )

# --- scband reference (transcript-rebuilt; emitter-appended) ---
"""Pipeline reference for scband-model-51513837748490 (READ-ONLY COPY).

The authoritative reference and input builder live on the scoring server;
editing this copy changes nothing except your own understanding.
"""

import jax, jax.numpy as jnp
import numpy as np

def _gather(x, dim, idx):
    # emulate torch.gather: non-dim axes of input are sliced down to index sizes
    dim = dim % x.ndim
    sl = tuple(slice(None) if a == dim else slice(0, idx.shape[a]) for a in range(x.ndim))
    return jnp.take_along_axis(x[sl], idx, axis=dim)

def setup_inputs(seed: int = 0):
    key = jax.random.key(seed)
    k1, k2, k3, k4 = jax.random.split(key, 4)
    return {
        'x': jax.random.normal(k1, (12,), dtype=jnp.float32),
        'y': jax.random.normal(k2, (4, 7), dtype=jnp.float32),
        'z': jax.random.normal(k3, (2, 3, 4), dtype=jnp.float32),
        'd': jax.random.normal(k4, (5, 5, 5, 5), dtype=jnp.float32),
    }

def reference(x, y, z, d):
    ix = jnp.array([7, 9, 11])
    iy0 = jnp.array([[1, 3, 2], [0, 3, 1]])
    iy1 = jnp.array([[1, 3, 2, 4, 6, 5], [4, 3, 2, 1, 5, 6]])
    iz0 = jnp.array([[[0], [1], [0]], [[1], [0], [1]]])
    iz1 = jnp.array([[[0], [1], [2]], [[1], [2], [0]]])
    iz2 = jnp.array([[[0, 1, 2, 3]], [[2, 1, 0, 3]]])
    zz = jnp.array([[[[0, 1, 0, 1, 0], [1, 0, 1, 0, 1], [0, 1, 0, 1, 0], [1, 0, 1, 0, 1]]],
                    [[[1, 0, 3, 4, 1], [0, 1, 0, 1, 0], [1, 0, 1, 0, 1], [0, 1, 0, 1, 0]]]])
    x0 = _gather(x, 0, ix)
    y0 = _gather(y, 0, iy0)
    y1 = _gather(y, 1, iy1)
    z0 = _gather(z, -3, iz0)
    z1 = _gather(z, -2, iz1)
    z2 = _gather(z, -1, iz2)
    d0 = _gather(d, 0, zz)
    d1 = _gather(d, 1, zz)
    d2 = _gather(d, 2, zz)
    d3 = _gather(d, 3, zz)
    return (x0, y0, y1, z0, z1, z2, d0, d1, d2, d3)

if __name__ == "__main__":
    import jax
    _d = setup_inputs()
    print(jax.jit(kernel)(*tuple(_d.values())))

</pallas_src>

<mosaic_0001>
#map = affine_map<(d0, d1) -> (0)>
module attributes {stable_mosaic.version = 14 : i64} {
  func.func @_gather_body(%arg0: i32, %arg1: i32, %arg2: memref<689xf32, #tpu.memory_space<hbm>>, %arg3: memref<216xi32, #tpu.memory_space<hbm>>, %arg4: memref<216xf32, #tpu.memory_space<hbm>>, %arg5: memref<216xi32, #tpu.memory_space<vmem>>, %arg6: memref<216xf32, #tpu.memory_space<vmem>>, %arg7: memref<!tpu.dma_semaphore, #tpu.memory_space<semaphore_mem>>) attributes {dimension_semantics = [#tpu.dimension_semantics<core_parallel>, #tpu.dimension_semantics<subcore_parallel>], iteration_bounds = array<i64: 1, 16>, scalar_prefetch = 0 : i64, scratch_operands = 3 : i64, tpu.core_type = #tpu.core_type<sc_vector_subcore>, window_params = [{transform_indices = #map}, {transform_indices = #map}, {transform_indices = #map}]} {
    %eq3A = arith.constant 0 : i32
    %eq3A_0 = arith.cmpi eq, %arg1, %eq3A : i32
    %convert_element_type3A = arith.extui %eq3A_0 : i1 to i32
    %cond3A = arith.constant 0 : i32
    %cond3A_1 = arith.cmpi ne, %convert_element_type3A, %cond3A : i32
    scf.if %cond3A_1 {
      "tpu.region"() ({
        %run_scoped3A = tpu.sem_alloc : memref<!tpu.dma_semaphore, #tpu.memory_space<semaphore_mem>>
        tpu.enqueue_dma source(%arg3 : memref<216xi32, #tpu.memory_space<hbm>>) target(%arg5 : memref<216xi32, #tpu.memory_space<vmem>>) target_semaphore(%run_scoped3A : memref<!tpu.dma_semaphore, #tpu.memory_space<semaphore_mem>>)
        tpu.wait_dma2 semaphore(%run_scoped3A : memref<!tpu.dma_semaphore, #tpu.memory_space<semaphore_mem>>) src(%arg3 : memref<216xi32, #tpu.memory_space<hbm>>) dst(%arg5 : memref<216xi32, #tpu.memory_space<vmem>>)
        tpu.yield
      }) : () -> ()
      %dma_start3A = arith.constant 0 : i32
      %dma_start3A_2 = tpu.memref_slice %arg2[%dma_start3A] : memref<689xf32, #tpu.memory_space<hbm>> -> memref<689xf32, #tpu.memory_space<hbm>>
      tpu.enqueue_indirect_dma source(%dma_start3A_2 : memref<689xf32, #tpu.memory_space<hbm>>) target(%arg6 : memref<216xf32, #tpu.memory_space<vmem>>) offsets(%arg5 : memref<216xi32, #tpu.memory_space<vmem>>) semaphore(%arg7 : memref<!tpu.dma_semaphore, #tpu.memory_space<semaphore_mem>>)
      %dma_wait3A = arith.constant 0 : i32
      %dma_wait3A_3 = tpu.memref_slice %arg2[%dma_wait3A] : memref<689xf32, #tpu.memory_space<hbm>> -> memref<689xf32, #tpu.memory_space<hbm>>
      tpu.wait_indirect_dma semaphore(%arg7 : memref<!tpu.dma_semaphore, #tpu.memory_space<semaphore_mem>>) src(%dma_wait3A_3 : memref<689xf32, #tpu.memory_space<hbm>>) dst(%arg6 : memref<216xf32, #tpu.memory_space<vmem>>)
      "tpu.region"() ({
        %run_scoped3A = tpu.sem_alloc : memref<!tpu.dma_semaphore, #tpu.memory_space<semaphore_mem>>
        tpu.enqueue_dma source(%arg6 : memref<216xf32, #tpu.memory_space<vmem>>) target(%arg4 : memref<216xf32, #tpu.memory_space<hbm>>) target_semaphore(%run_scoped3A : memref<!tpu.dma_semaphore, #tpu.memory_space<semaphore_mem>>)
        tpu.wait_dma2 semaphore(%run_scoped3A : memref<!tpu.dma_semaphore, #tpu.memory_space<semaphore_mem>>) src(%arg6 : memref<216xf32, #tpu.memory_space<vmem>>) dst(%arg4 : memref<216xf32, #tpu.memory_space<hbm>>)
        tpu.yield
      }) : () -> ()
    } else {
    }
    return
  }
}

</mosaic_0001>

<sc_bundles>
// kernel: kernel.3.cloned.1.call-start
scs
__scs_entry_jumppad:
0x0: {  	(pc) =	sbr.rel $0x88, $3  }
0x1: {  	(tag) =	ssettag $0x0;
	lr =	simm.s32 $0x1  }
0x2: {  	[smem:$0x3F9D] =	sst lr;
	_ =	strace $0xD0000000  }
0x3: {  	_ = 	snop  }
0x4: {  	_ = 	snop  }
0x5: {  	_ = 	snop  }
0x6: {  	_ = 	snop  }
0x7: {  	_ = 	snop  }
__scs_overlays_trampoline_lowered:
0x8: {  	[smem:$0x3FAC] =	sst s0  }
0x9: {  	[smem:$0x3FAD] =	sst s1  }
0xa: {  	[smem:$0x3FAE] =	sst s2  }
0xb: {  	[smem:$0x3FAF] =	sst s3  }
0xc: {  	[smem:$0x3FB0] =	sst s4  }
0xd: {  	[smem:$0x3FB1] =	sst s5  }
0xe: {  	[smem:$0x3FB2] =	sst s6  }
0xf: {  	[smem:$0x3FB3] =	sst s7  }
0x10: {  	[smem:$0x3FB4] =	sst s8  }
0x11: {  	[smem:$0x3FB5] =	sst s9;
	s0 =	simm.s32 @!p0 $0x0  }
0x12: {  	s1 =	sld [smem:$0x3F9B];
	s0 =	simm.s32 @p0 $0x1  }
0x13: {  	[smem:$0x3FB6] =	sst s0;
	s0 =	simm.s32 @!p1 $0x0  }
0x14: {  	s2 =	sld [smem:$0x3F9A];
	s0 =	simm.s32 @p1 $0x1  }
0x15: {  	[smem:$0x3FB7] =	sst s0;
	s0 =	simm.s32 @!p2 $0x0  }
0x16: {  	s3 =	sld [smem:$0x3FDB];
	s0 =	simm.s32 @p2 $0x1  }
0x17: {  	s4 =	simm.s32 $0x1BF5;
	[smem:$0x3FB9] =	sst s0  }
0x18: {  	s0 =	sld [smem:$0x3F9C];
	_ =	swait.ge [sflag:s4], $0x0  }
0x19: {  	s7 =	sld [smem:$0x3F9D]  }
0x1a: {  	s8 =	sadd.s32 $0xFFFFE003, lr  }
0x1b: {  	s9 =	sadd.s32 $0xFFFFFEF7, lr;
	s5 =	simm.s32 $0xFFFFFFFF;
	p2 =	slt.u32 s8, $0xFFFFF086  }
0x1c: {  	p1 =	slt.u32 s9, $0xF7A;
	s5 =	simm.s32 @!p2 $0x0  }
0x1d: {  	s5 =	simm.s32 @p1 $0x1;
	p0 =	seq.s32 s7, s2  }
0x1e: {  	s7 =	smul.u32 @!p0 $0xF7A, s2;
	p2 =	seq.s32 @!p0 s5, $0x0  }
0x1f: {  	s9 =	smul.u32 $0xF7A, s1;
	s8 =	simm.s32 @!p0 $0x1BF5;
	p2 =	por !p2, p0  }
0x20: {  	[sflag:s8] =	ssyncset.s32 @!p0 $0xFFFFF086;
	s6 =	sadd.s32 @!p0 s3, s7;
	s7 =	simm.s32 @!p0 $0x108  }
0x21: {  	s3 =	sadd.s32 s3, s9;
	s6 =	sadd.s32 @!p0 $0x88, s6;
	s7 =	simm.s32 @p2 $0x1082  }
0x22: {  	[simem:s7], [sflag:s8] =	dma.local @!p0 [hbm:s6], $0xF7A  }
0x23: {  	s9 =	sor.u32 $0xD0000000, s2;
	s6 =	simm.s32 $0x108;
	_ =	swait.ge @!p0 [sflag:s8], $0x0  }
0x24: {  	s3 =	sadd.s32 $0x88, s3;
	s6 =	simm.s32 @!p1 $0x1082;
	[sflag:s4] =	ssyncset.s32 $0xFFFFF086  }
0x25: {  	[simem:s6], [sflag:s4] =	dma.local [hbm:s3], $0xF7A  }
0x26: {  	[smem:$0x3F9D] =	sst s1;
	(tag) =	ssettag s2;
	_ =	strace s9  }
0x27: {  	s1 =	sld [smem:$0x3FAD]  }
0x28: {  	s2 =	sld [smem:$0x3FAE]  }
0x29: {  	s4 =	sld [smem:$0x3FB0]  }
0x2a: {  	p0 =	seq.s32 s5, $0x0;
	s5 =	sld [smem:$0x3FB1]  }
0x2b: {  	s6 =	sld [smem:$0x3FB2]  }
0x2c: {  	s7 =	sld [smem:$0x3FB3]  }
0x2d: {  	s3 =	simm.s32 $0x108;
	s8 =	sld [smem:$0x3FB4]  }
0x2e: {  	s3 =	simm.s32 @!p0 $0x1082;
	s9 =	sld [smem:$0x3FB5]  }
0x2f: {  	lr =	sadd.s32 s0, s3;
	s0 =	sld [smem:$0x3FAC]  }
0x30: {  	s3 =	sld [smem:$0x3FAF]  }
0x31: {  	[smem:$0x3FB8] =	sst s10  }
0x32: {  	s10 =	sld [smem:$0x3FB6];
	_ =	sdelay $0x3  }
0x33: {  	p0 =	seq.s32 s10, $0x1;
	s10 =	sld [smem:$0x3FB8];
	_ =	sdelay $0x3  }
0x34: {  	[smem:$0x3FB8] =	sst s10  }
0x35: {  	s10 =	sld [smem:$0x3FB7];
	_ =	sdelay $0x3  }
0x36: {  	p1 =	seq.s32 s10, $0x1;
	s10 =	sld [smem:$0x3FB8];
	_ =	sdelay $0x3  }
0x37: {  	[smem:$0x3FB8] =	sst s10  }
0x38: {  	s10 =	sld [smem:$0x3FB9]  }
0x39: {  	_ = 	snop;
	(pc) =	sbr.ind lr, $3  }
0x3a: {  	_ = 	snop  }
0x3b: {  	_ = 	snop  }
0x3c: {  	p2 =	seq.s32 s10, $0x1;
	s10 =	sld [smem:$0x3FB8]  }
0x3d: {  	_ =	shalt  }
0x3e: {  	_ =	shalt  }
0x3f: {  	_ =	shalt  }
0x40: {  	_ =	shalt  }
0x41: {  	_ =	shalt  }
0x42: {  	_ =	shalt  }
0x43: {  	_ =	shalt  }
0x44: {  	_ =	shalt  }
0x45: {  	_ =	shalt  }
0x46: {  	_ =	shalt  }
0x47: {  	_ =	shalt  }
0x48: {  	_ =	shalt  }
0x49: {  	_ =	shalt  }
0x4a: {  	_ =	shalt  }
0x4b: {  	_ =	shalt  }
0x4c: {  	_ =	shalt  }
0x4d: {  	_ =	shalt  }
0x4e: {  	_ =	shalt  }
0x4f: {  	_ =	shalt  }
0x50: {  	_ =	shalt  }
0x51: {  	_ =	shalt  }
0x52: {  	_ =	shalt  }
0x53: {  	_ =	shalt  }
0x54: {  	_ =	shalt  }
0x55: {  	_ =	shalt  }
0x56: {  	_ =	shalt  }
0x57: {  	_ =	shalt  }
0x58: {  	_ =	shalt  }
0x59: {  	_ =	shalt  }
0x5a: {  	_ =	shalt  }
0x5b: {  	_ =	shalt  }
0x5c: {  	_ =	shalt  }
0x5d: {  	_ =	shalt  }
0x5e: {  	_ =	shalt  }
0x5f: {  	_ =	shalt  }
0x60: {  	_ =	shalt  }
0x61: {  	_ =	shalt  }
0x62: {  	_ =	shalt  }
0x63: {  	_ =	shalt  }
0x64: {  	_ =	shalt  }
0x65: {  	_ =	shalt  }
0x66: {  	_ =	shalt  }
0x67: {  	_ =	shalt  }
0x68: {  	_ =	shalt  }
0x69: {  	_ =	shalt  }
0x6a: {  	_ =	shalt  }
0x6b: {  	_ =	shalt  }
0x6c: {  	_ =	shalt  }
0x6d: {  	_ =	shalt  }
0x6e: {  	_ =	shalt  }
0x6f: {  	_ =	shalt  }
0x70: {  	_ =	shalt  }
0x71: {  	_ =	shalt  }
0x72: {  	_ =	shalt  }
0x73: {  	_ =	shalt  }
0x74: {  	_ =	shalt  }
0x75: {  	_ =	shalt  }
0x76: {  	_ =	shalt  }
0x77: {  	_ =	shalt  }
0x78: {  	_ =	shalt  }
0x79: {  	_ =	shalt  }
0x7a: {  	_ =	shalt  }
0x7b: {  	_ =	shalt  }
0x7c: {  	_ =	shalt  }
0x7d: {  	_ =	shalt  }
0x7e: {  	_ =	shalt  }
0x7f: {  	_ =	shalt  }
0x80: {  	_ =	shalt  }
0x81: {  	_ =	shalt  }
0x82: {  	_ =	shalt  }
0x83: {  	_ =	shalt  }
0x84: {  	_ =	shalt  }
0x85: {  	_ =	shalt  }
0x86: {  	_ =	shalt  }
0x87: {  	_ =	shalt  }
.Lfunc_end0:
.L_simem_size_0:
called_computation_lowered:
.L_overlay_start_0:
0x88: {  	s0 =	sld [smem:$0x3FD9]  }
0x89: {  	s1 =	sld [smem:$0x3FFE];
	_ =	sdelay $0x3  }
0x8a: {  	s0 =	sadd.s32 s1, s0  }
0x8b: {  	[smem:$0x3FC4] =	sst s0  }
0x8c: {  	_ = 	snop  }
0x8d: {  	s0 =	sld [smem:$0x3FD0];
	_ =	sdelay $0x3  }
0x8e: {  	s2 =	simm.s32 $0xA;
	s3 =	simm.s32 $0x10;
	s13 =	sadd.s32 $0x1, s0  }
0x8f: {  	[smem:s3], [sflag:s2] =	dma.local [hbm:s13], $0x1  }
0x90: {  	_ =	swait.eq [sflag:s2], $0x1  }
0x91: {  	[sflag:s2] =	ssyncset.done $0x0  }
0x92: {  	[sflag:s2] =	ssyncadd.s32 $0xFFFFFFFF  }
0x93: {  	s14 =	sld [smem:$0x11]  }
0x94: {  	[smem:s3], [sflag:s2] =	dma.local [hbm:s0], $0x1  }
0x95: {  	_ =	swait.eq [sflag:s2], $0x1  }
0x96: {  	[sflag:s2] =	ssyncset.done $0x0  }
0x97: {  	s15 =	sld [smem:$0x14];
	[sflag:s2] =	ssyncadd.s32 $0xFFFFFFFF  }
0x98: {  	s16 =	sld [smem:$0x15];
	(tm) =	ssettm $0x1  }
0x99: {  	s17 =	sld [smem:$0x3FFB];
	_ =	sdelay $0x3  }
0x9a: {  	_ =	strace s17  }
0x9b: {  	s3 =	sld [smem:$0x3FFC];
	_ =	sdelay $0x3  }
0x9c: {  	_ =	strace s3  }
0x9d: {  	s3 =	sld [smem:$0x3FFD];
	_ =	sdelay $0x3  }
0x9e: {  	_ =	strace s3  }
0x9f: {  	_ =	strace $0x8FFFFFFF  }
0xa0: {  	s18 =	sld [smem:$0x3FDB];
	_ =	sdelay $0x1  }
0xa1: {  	s4 =	simm.s32 $_scs_section_size  }
0xa2: {  	s5 =	simm.s32 $_size__tile_overlayer_lowered;
	s6 =	simm.s32 $_tile_overlayer_lowered  }
0xa3: {  	s21 =	simm.s32 $0x1BFF;
	s20 =	sshll.u32 s6, $0x1;
	s3 =	sadd.s32 s4, s18  }
0xa4: {  	s7 =	simm.s32 $0x0;
	s19 =	sshll.u32 s5, $0x1;
	s5 =	sadd.s32 s20, s3  }
0xa5: {  	[timem:s7], [sflag:s21] =	dma.local [hbm:s5], s19  }
0xa6: {  	_ =	swait.ge [sflag:s21], s19  }
0xa7: {  	s4 =	ssub.s32 $0x0, s19;
	[sflag:s21] =	ssyncset.done $0x0  }
0xa8: {  	[sflag:s21] =	ssyncadd.s32 s4;
	_ =	sdelay $0x1  }
0xa9: {  	s22 =	simm.s32 $0x1B8B  }
0xaa: {  	_ =	swait.ge [sflag:s22], $0x1  }
0xab: {  	[sflag:s22] =	ssyncset.done $0x0  }
0xac: {  	s23 =	simm.s32 $0x1B8E;
	[sflag:s22] =	ssyncadd.s32 $0xFFFFFFFF  }
0xad: {  	s24 =	simm.s32 $execute0_lowered;
	[smem:$0x3FD2] =	sst s23  }
0xae: {  	s4 =	sshll.u32 s24, $0x1;
	_ =	strace $0x80000046;
	[dreg:$0x1] =	wrdreg $0xFFFFFFFF  }
0xaf: {  	s25 =	simm.s32 $_size_execute0_lowered;
	s3 =	sadd.s32 s3, s4;
	[dreg:$0x0] =	wrdreg $0x0  }
0xb0: {  	s4 =	sshll.u32 s25, $0x1;
	[dreg:$0x2] =	wrdreg s3  }
0xb1: {  	[dreg:$0x3] =	wrdreg s4  }
0xb2: {  	[dreg:$0x4] =	wrdreg $0xC0  }
0xb3: {  	_ =	task [dreg:s7], $0x5FFFF  }
0xb4: {  	[dreg:$0x1] =	wrdreg $0xFFFFFFFF  }
0xb5: {  	[dreg:$0x0] =	wrdreg $0x60  }
0xb6: {  	[dreg:$0x2] =	wrdreg s14  }
0xb7: {  	[dreg:$0x3] =	wrdreg s16  }
0xb8: {  	[dreg:$0x4] =	wrdreg s15  }
0xb9: {  	[dreg:$0x5] =	wrdreg $0x9  }
0xba: {  	_ =	task.clear_ibuf [dreg:s7], $0x6FFFF;
	_ =	strace $0x90000046  }
0xbb: {  	s26 =	simm.s32 $0x9;
	_ =	strace $0x80000048  }
0xbc: {  	_ =	swait.ge [sflag:s26], $0x1  }
0xbd: {  	[sflag:s26] =	ssyncadd.s32 $0xFFFFFFFF  }
0xbe: {  	_ =	strace $0x90000048  }
0xbf: {  	_ =	sfence  }
0xc0: {  	s28 =	sld [smem:$0x0];
	_ =	sdelay $0x1  }
0xc1: {  	s29 =	srdreg.scid  }
0xc2: {  	s30 =	sshll.u32 s29, $0xD;
	s31 =	sshrl.u32 s29, $0x2  }
0xc3: {  	s1 =	sand.u32 $0x1, s29;
	s2 =	sand.u32 $0x4000, s30;
	s0 =	sadd.s32 s31, s28  }
0xc4: {  	s1 =	sor.u32 s2, s1;
	s0 =	sshll.u32 s0, $0x11  }
0xc5: {  	s0 =	sor.u32 s0, s1  }
0xc6: {  	s0 =	sadd.s32 $0x8F2B, s0  }
0xc7: {  	[sflag:s0] =	ssyncadd.remote.s32 $0x1  }
0xc8: {  	_ =	sfence.sel $0xFFFF  }
0xc9: {  	[dreg:$0x0] =	wrdreg $0xFFFFFFFF;
	(pc) =	sbr.abs _section_cstart, $3  }
0xca: {  	[dreg:$0x1] =	wrdreg $0xFFFFFFFF  }
0xcb: {  	_ =	task.clear_ibuf [dreg:s7], $0x2FFFF;
	_ =	strace $0x9FFFFFFF  }
0xcc: {  	(tm) =	ssettm $0x7FFFFFFF  }
0xcd: {  	_ =	shalt  }
tec
execute0_lowered:
.L_overlay_start_1:
0x0: {  	(tag) =	ssettag $0x1  }
0x1: {  	s0 =	rddreg [dreg:$0x0]  }
0x2: {  	s1 =	rddreg [dreg:$0x1]  }
0x3: {  	s2 =	rddreg [dreg:$0x2];
	s4 =	stileid.u32  }
0x4: {  	s3 =	rddreg [dreg:$0x3];
	_ =	strace $0x80000047;
	p0 =	sne.s32 s4, $0x0  }
0x5: {  	_ =	sfence.sel @p0 $0x180000  }
0x6: {  	[bflag:$0x0] =	sbarrier.arrive @p0 $0xFFFF  }
0x7: {  	_ =	strace @p0 $0x90000047  }
0x8: {  	s4 =	simm.s32 @!p0 $0x0;
	[bflag:$0x2] =	sbarrier.arrive @p0 $0xFFFF  }
0x9: {  	[tilespmem:s4], [sflag:$0x2] =	stream.linear.gather @!p0 [hbm4b:s1+s4], $0x100, $0x38;
	[tilespmem:$0x200] =	vst v63  }
0xa: {  	s1 =	simm.s32 @!p0 $0x2  }
0xb: {  	_ =	swait.ge @!p0 [sflag:s1], $0x100  }
0xc: {  	[sflag:s1] =	ssyncset.done @!p0 $0x0  }
0xd: {  	s5 =	simm.s32 @!p0 $0xD8;
	s6 =	simm.s32 @!p0 $0x100;
	[sflag:s1] =	ssyncadd.s32 @!p0 $0xFFFFFF00  }
0xe: {  	[tilespmem:s6], [sflag:$0x1] =	stream.indirect.gather @!p0 [hbm4b:s0+s5], $0x1, s4, s5, $0xb8;
	[tilespmem:$0x200] =	vst v63  }
0xf: {  	s0 =	simm.s32 @!p0 $0x1  }
0x10: {  	_ =	swait.ge @!p0 [sflag:s0], $0xD8  }
0x11: {  	[sflag:s0] =	ssyncset.done @!p0 $0x0  }
0x12: {  	[sflag:s0] =	ssyncadd.s32 @!p0 $0xFFFFFF28  }
0x13: {  	[hbm4b:s2+s4] =	stream.linear.scatter @!p0 [tilespmem:s6], [sflag:$0x2], $0x100, $0x38;
	[tilespmem:$0x200] =	vst v63  }
0x14: {  	_ =	swait.ge @!p0 [sflag:s1], $0x100  }
0x15: {  	[sflag:s1] =	ssyncset.done @!p0 $0x0  }
0x16: {  	[sflag:s1] =	ssyncadd.s32 @!p0 $0xFFFFFF00  }
0x17: {  	_ =	sfence.sel @!p0 $0x180000  }
0x18: {  	[bflag:$0x0] =	sbarrier.arrive @!p0 $0xFFFF  }
0x19: {  	_ =	strace @!p0 $0x90000047  }
0x1a: {  	s0 =	sadd.s32 @!p0 $0x100000, s3;
	[bflag:$0x2] =	sbarrier.arrive @!p0 $0xFFFF  }
0x1b: {  	[sflag:s0] =	ssyncadd.tile.s32 @!p0 $0x1;
	_ =	shalt  }
.Lfunc_end2:
_tile_overlayer_lowered:
.L_overlay_start_2:
0x1c: {  	(tag) =	ssettag $0x2  }
0x1d: {  	s0 =	rddreg [dreg:$0x0];
	s2 =	stileid.u32  }
0x1e: {  	s1 =	rddreg [dreg:$0x1];
	p0 =	sne.s32 s2, $0x0  }
0x1f: {  	s3 =	rddreg [dreg:$0x2];
	[bflag:$0x3] =	sbarrier.arrive $0xFFFF;
	s2 =	simm.s32 @!p0 $0x1C02  }
0x20: {  	[timem:s3], [sflag:s2] =	dma.local @!p0 [hbm:s0], s1  }
0x21: {  	s0 =	simm.s32 @!p0 $0x2  }
0x22: {  	_ =	swait.ge @!p0 [sflag:s0], s1  }
0x23: {  	s1 =	ssub.s32 @!p0 $0x0, s1;
	[sflag:s0] =	ssyncset.done @!p0 $0x0  }
0x24: {  	[sflag:s0] =	ssyncadd.s32 @!p0 s1  }
0x25: {  	[bflag:$0x3] =	sbarrier.arrive $0xFFFF  }
0x26: {  	_ =	shalt  }

</sc_bundles>
